<compile_context>
chip_gen: v7x
topology: tpu7x:2x2x1
jax: 0.10.2.dev20260603
libtpu: 0.0.44.dev20260713+nightly
codegen_flags: <defaults>
</compile_context>

<pallas_src>
import jax
import jax.numpy as jnp
from jax.experimental import pallas as pl
from jax.experimental.pallas import tpu as pltpu

_B = 128
_FEAT = 3 * 384 * 384
_CHUNK = 6912
_NSTEP = _FEAT // _CHUNK
_REM = 115


def _mse_body(xr_ref, x_ref, out_ref):
    j = pl.program_id(0)

    @pl.when(j == 0)
    def _init():
        out_ref[...] = jnp.zeros_like(out_ref)

    xv = x_ref[...]
    d0 = xr_ref[0] - xv
    d1 = xr_ref[1] - xv
    p0 = jnp.sum(d0 * d0, axis=1, keepdims=True)
    p1 = jnp.sum(d1 * d1, axis=1, keepdims=True)
    out_ref[:, 0:1] += p0
    out_ref[:, 1:2] += p1


def _select_body(lr_ref, lc_ref, out_ref):
    inv = 1.0 / jnp.float32(_FEAT)
    l0r = lr_ref[0:1, :] * inv
    l0c = lc_ref[:, 0:1] * inv
    l1c = lc_ref[:, 1:2] * inv
    rowv = jnp.broadcast_to(l0c, (_B, _B))
    colv = jnp.broadcast_to(l0r, (_B, _B))
    rr = jax.lax.broadcasted_iota(jnp.int32, (_B, _B), 0)
    cc = jax.lax.broadcasted_iota(jnp.int32, (_B, _B), 1)
    smaller = (colv < rowv) | ((colv == rowv) & (cc < rr))
    rank = jnp.sum(smaller.astype(jnp.float32), axis=1, keepdims=True)
    sel = (rank < jnp.float32(_REM)).astype(jnp.float32)
    total = jnp.sum(sel * (l0c + l1c), keepdims=True)
    out_ref[...] = total.reshape(1, 1) / jnp.float32(_REM)


def kernel(xr, x):
    xr3 = xr.reshape(2, _B, _FEAT)
    x2 = x.reshape(_B, _FEAT)
    acc = pl.pallas_call(
        _mse_body,
        grid=(_NSTEP,),
        in_specs=[
            pl.BlockSpec((2, _B, _CHUNK), lambda j: (0, 0, j)),
            pl.BlockSpec((_B, _CHUNK), lambda j: (0, j)),
        ],
        out_specs=pl.BlockSpec((_B, 2), lambda j: (0, 0)),
        out_shape=jax.ShapeDtypeStruct((_B, 2), jnp.float32),
        compiler_params=pltpu.CompilerParams(
            dimension_semantics=("arbitrary",),
        ),
    )(xr3, x2)

    loss = pl.pallas_call(
        _select_body,
        in_specs=[
            pl.BlockSpec((2, _B), lambda: (0, 0)),
            pl.BlockSpec((_B, 2), lambda: (0, 0)),
        ],
        out_specs=pl.BlockSpec((1, 1), lambda: (0, 0)),
        out_shape=jax.ShapeDtypeStruct((1, 1), jnp.float32),
    )(jnp.transpose(acc), acc)
    return loss[0, 0]

# --- scband reference (transcript-rebuilt; emitter-appended) ---
"""Pipeline reference for scband-in-co-teaching-agree-loss-69552700391886 (READ-ONLY COPY).

The authoritative reference and input builder live on the scoring server;
editing this copy changes nothing except your own understanding.
"""

import jax, jax.numpy as jnp
import numpy as np

NOISE_RATE = 0.1
GROUP = 2

def setup_inputs(seed: int = 0) -> dict:
    key = jax.random.key(seed)
    k1, k2 = jax.random.split(key)
    xr = jax.random.normal(k1, (GROUP, 128, 3, 384, 384), dtype=jnp.float32)
    x = jax.random.normal(k2, (128, 3, 384, 384), dtype=jnp.float32)
    return {"xr": xr, "x": x}


def reference(xr, x):
    # Faithful translation of InCoTeachingAgreeLoss.forward
    L_mse = []
    idxsorted = []
    for i in range(GROUP):
        lmse = jnp.mean((xr[i] - x) ** 2, axis=(1, 2, 3))  # MSELoss(reduction='none').mean(dim=(1,2,3))
        L_mse.append(lmse)
        idxsorted.append(jnp.argsort(lmse))
    rem_idx = int(x.shape[0] * (1.0 - NOISE_RATE))
    # agrees = intersect1d(idxsorted[0][:rem_idx], idxsorted[i]) for i>=1.
    # Each idxsorted[i] is a full permutation of 0..B-1, so intersecting with it
    # leaves the set unchanged; intersect1d returns the sorted result.
    agrees = jnp.sort(idxsorted[0][:rem_idx])
    loss = jnp.float32(0.0)
    for i in range(GROUP):
        loss = loss + jnp.mean(L_mse[i][agrees])
    return loss

if __name__ == "__main__":
    import jax
    _d = setup_inputs()
    print(jax.jit(kernel)(*tuple(_d.values())))

</pallas_src>

<mosaic_0001>
module attributes {stable_mosaic.version = 14 : i64} {
  func.func @_select_body(%arg0: memref<2x128xf32, #tpu.memory_space<vmem>>, %arg1: memref<128x2xf32, #tpu.memory_space<vmem>>, %arg2: memref<1x1xf32, #tpu.memory_space<vmem>>) attributes {dimension_semantics = [], scalar_prefetch = 0 : i64, scratch_operands = 0 : i64, tpu.core_type = #tpu.core_type<tc>} {
    %div3A = arith.constant 1.000000e+00 : f32
    %div3A_0 = arith.constant 4.423680e+05 : f32
    %div3A_1 = arith.divf %div3A, %div3A_0 : f32
    %get3A = arith.constant 0 : index
    %get3A_2 = arith.constant 0 : index
    %get3A_3 = vector.load %arg0[%get3A, %get3A_2] : memref<2x128xf32, #tpu.memory_space<vmem>>, vector<1x128xf32>
    %mul3A = vector.broadcast %div3A_1 : f32 to vector<1x128xf32>
    %mul3A_4 = arith.mulf %get3A_3, %mul3A : vector<1x128xf32>
    %get3A_5 = arith.constant 0 : index
    %get3A_6 = arith.constant 0 : index
    %get3A_7 = vector.load %arg1[%get3A_5, %get3A_6] : memref<128x2xf32, #tpu.memory_space<vmem>>, vector<128x1xf32>
    %mul3A_8 = vector.broadcast %div3A_1 : f32 to vector<128x1xf32>
    %mul3A_9 = arith.mulf %get3A_7, %mul3A_8 : vector<128x1xf32>
    %get3A_10 = arith.constant 0 : index
    %get3A_11 = arith.constant 1 : index
    %get3A_12 = vector.load %arg1[%get3A_10, %get3A_11] : memref<128x2xf32, #tpu.memory_space<vmem>>, vector<128x1xf32>
    %mul3A_13 = vector.broadcast %div3A_1 : f32 to vector<128x1xf32>
    %mul3A_14 = arith.mulf %get3A_12, %mul3A_13 : vector<128x1xf32>
    %broadcast_in_dim3A = vector.shape_cast %mul3A_9 : vector<128x1xf32> to vector<128x1xf32>
    %broadcast_in_dim3A_15 = vector.broadcast %broadcast_in_dim3A : vector<128x1xf32> to vector<128x128xf32>
    %broadcast_in_dim3A_16 = vector.shape_cast %mul3A_4 : vector<1x128xf32> to vector<1x128xf32>
    %broadcast_in_dim3A_17 = vector.broadcast %broadcast_in_dim3A_16 : vector<1x128xf32> to vector<128x128xf32>
    %iota3A = tpu.iota {dimensions = array<i32: 0>} : vector<128x128xi32>
    %iota3A_18 = tpu.iota {dimensions = array<i32: 1>} : vector<128x128xi32>
    %lt3A = arith.cmpf olt, %broadcast_in_dim3A_17, %broadcast_in_dim3A_15 : vector<128x128xf32>
    %eq3A = arith.cmpf oeq, %broadcast_in_dim3A_17, %broadcast_in_dim3A_15 : vector<128x128xf32>
    %lt3A_19 = arith.cmpi slt, %iota3A_18, %iota3A : vector<128x128xi32>
    %and3A = arith.andi %eq3A, %lt3A_19 : vector<128x128xi1>
    %or3A = arith.ori %lt3A, %and3A : vector<128x128xi1>
    %convert_element_type3A = arith.extui %or3A : vector<128x128xi1> to vector<128x128xi32>
    %convert_element_type3A_20 = arith.sitofp %convert_element_type3A : vector<128x128xi32> to vector<128x128xf32>
    %reduce_sum3A = arith.constant dense<0.000000e+00> : vector<128xf32>
    %reduce_sum3A_21 = vector.multi_reduction <add>, %convert_element_type3A_20, %reduce_sum3A [1] : vector<128x128xf32> to vector<128xf32>
    %broadcast_in_dim3A_22 = vector.shape_cast %reduce_sum3A_21 : vector<128xf32> to vector<128x1xf32>
    %lt3A_23 = arith.constant 1.150000e+02 : f32
    %lt3A_24 = vector.broadcast %lt3A_23 : f32 to vector<128x1xf32>
    %lt3A_25 = arith.cmpf olt, %broadcast_in_dim3A_22, %lt3A_24 : vector<128x1xf32>
    %convert_element_type3A_26 = arith.extui %lt3A_25 : vector<128x1xi1> to vector<128x1xi32>
    %convert_element_type3A_27 = arith.sitofp %convert_element_type3A_26 : vector<128x1xi32> to vector<128x1xf32>
    %add3A = arith.addf %mul3A_9, %mul3A_14 : vector<128x1xf32>
    %mul3A_28 = arith.mulf %convert_element_type3A_27, %add3A : vector<128x1xf32>
    %reduce_sum3A_29 = vector.shape_cast %mul3A_28 : vector<128x1xf32> to vector<1x128x1xf32>
    %reduce_sum3A_30 = arith.constant dense<0.000000e+00> : vector<1xf32>
    %reduce_sum3A_31 = vector.multi_reduction <add>, %reduce_sum3A_29, %reduce_sum3A_30 [1, 2] : vector<1x128x1xf32> to vector<1xf32>
    %reduce_sum3A_32 = vector.shape_cast %reduce_sum3A_31 : vector<1xf32> to vector<1x1x1xf32>
    %reduce_sum3A_33 = vector.extract %reduce_sum3A_32[0, 0, 0] : f32 from vector<1x1x1xf32>
    %broadcast_in_dim3A_34 = vector.broadcast %reduce_sum3A_33 : f32 to vector<1x1xf32>
    %div3A_35 = arith.constant 1.150000e+02 : f32
    %div3A_36 = vector.broadcast %div3A_35 : f32 to vector<1x1xf32>
    %div3A_37 = arith.divf %broadcast_in_dim3A_34, %div3A_36 : vector<1x1xf32>
    %swap3A = arith.constant 0 : index
    %swap3A_38 = arith.constant 0 : index
    %swap3A_39 = vector.load %arg2[%swap3A, %swap3A_38] : memref<1x1xf32, #tpu.memory_space<vmem>>, vector<1x1xf32>
    tpu.vector_store %arg2[%swap3A, %swap3A_38], %div3A_37 {strides = array<i32>} : memref<1x1xf32, #tpu.memory_space<vmem>>, vector<1x1xf32>,
    return
  }
}

module attributes {stable_mosaic.version = 14 : i64} {
  func.func @_mse_body(%arg0: i32, %arg1: memref<2x128x6912xf32, #tpu.memory_space<vmem>>, %arg2: memref<128x6912xf32, #tpu.memory_space<vmem>>, %arg3: memref<128x2xf32, #tpu.memory_space<vmem>>) attributes {dimension_semantics = [#tpu.dimension_semantics<arbitrary>], iteration_bounds = array<i64: 64>, scalar_prefetch = 0 : i64, scratch_operands = 0 : i64, tpu.core_type = #tpu.core_type<tc>, window_params = [{transform_indices = @transform_0, window_bounds = array<i64: 2, 128, 6912>}, {transform_indices = @transform_1, window_bounds = array<i64: 128, 6912>}, {pipeline_mode = #tpu.pipeline_mode<synchronous>, transform_indices = @transform_2, window_bounds = array<i64: 128, 2>}]} {
    %eq3A = arith.constant 0 : i32
    %eq3A_0 = arith.cmpi eq, %arg0, %eq3A : i32
    %convert_element_type3A = arith.extui %eq3A_0 : i1 to i32
    %cond3A = arith.constant 0 : i32
    %cond3A_1 = arith.cmpi ne, %convert_element_type3A, %cond3A : i32
    scf.if %cond3A_1 {
      %broadcast_in_dim3A_32 = arith.constant 0.000000e+00 : f32
      %broadcast_in_dim3A_33 = vector.broadcast %broadcast_in_dim3A_32 : f32 to vector<128x2xf32>
      %swap3A_34 = arith.constant 0 : index
      %swap3A_35 = arith.constant 0 : index
      %swap3A_36 = vector.load %arg3[%swap3A_34, %swap3A_35] : memref<128x2xf32, #tpu.memory_space<vmem>>, vector<128x2xf32>
      tpu.vector_store %arg3[%swap3A_34, %swap3A_35], %broadcast_in_dim3A_33 {strides = array<i32>} : memref<128x2xf32, #tpu.memory_space<vmem>>, vector<128x2xf32>,
    } else {
    }
    %get3A = arith.constant 0 : index
    %get3A_2 = arith.constant 0 : index
    %get3A_3 = vector.load %arg2[%get3A, %get3A_2] : memref<128x6912xf32, #tpu.memory_space<vmem>>, vector<128x6912xf32>
    %get3A_4 = arith.constant 0 : index
    %get3A_5 = arith.constant 0 : index
    %get3A_6 = arith.constant 0 : index
    %get3A_7 = vector.load %arg1[%get3A_4, %get3A_5, %get3A_6] : memref<2x128x6912xf32, #tpu.memory_space<vmem>>, vector<1x128x6912xf32>
    %get3A_8 = vector.shape_cast %get3A_7 : vector<1x128x6912xf32> to vector<128x6912xf32>
    %sub3A = arith.subf %get3A_8, %get3A_3 : vector<128x6912xf32>
    %get3A_9 = arith.constant 1 : index
    %get3A_10 = arith.constant 0 : index
    %get3A_11 = arith.constant 0 : index
    %get3A_12 = vector.load %arg1[%get3A_9, %get3A_10, %get3A_11] : memref<2x128x6912xf32, #tpu.memory_space<vmem>>, vector<1x128x6912xf32>
    %get3A_13 = vector.shape_cast %get3A_12 : vector<1x128x6912xf32> to vector<128x6912xf32>
    %sub3A_14 = arith.subf %get3A_13, %get3A_3 : vector<128x6912xf32>
    %mul3A = arith.mulf %sub3A, %sub3A : vector<128x6912xf32>
    %reduce_sum3A = arith.constant dense<0.000000e+00> : vector<128xf32>
    %reduce_sum3A_15 = vector.multi_reduction <add>, %mul3A, %reduce_sum3A [1] : vector<128x6912xf32> to vector<128xf32>
    %broadcast_in_dim3A = vector.shape_cast %reduce_sum3A_15 : vector<128xf32> to vector<128x1xf32>
    %mul3A_16 = arith.mulf %sub3A_14, %sub3A_14 : vector<128x6912xf32>
    %reduce_sum3A_17 = arith.constant dense<0.000000e+00> : vector<128xf32>
    %reduce_sum3A_18 = vector.multi_reduction <add>, %mul3A_16, %reduce_sum3A_17 [1] : vector<128x6912xf32> to vector<128xf32>
    %broadcast_in_dim3A_19 = vector.shape_cast %reduce_sum3A_18 : vector<128xf32> to vector<128x1xf32>
    %get3A_20 = arith.constant 0 : index
    %get3A_21 = arith.constant 0 : index
    %get3A_22 = vector.load %arg3[%get3A_20, %get3A_21] : memref<128x2xf32, #tpu.memory_space<vmem>>, vector<128x1xf32>
    %add3A = arith.addf %get3A_22, %broadcast_in_dim3A : vector<128x1xf32>
    %swap3A = arith.constant 0 : index
    %swap3A_23 = arith.constant 0 : index
    %swap3A_24 = vector.load %arg3[%swap3A, %swap3A_23] : memref<128x2xf32, #tpu.memory_space<vmem>>, vector<128x1xf32>
    tpu.vector_store %arg3[%swap3A, %swap3A_23], %add3A {strides = array<i32>} : memref<128x2xf32, #tpu.memory_space<vmem>>, vector<128x1xf32>,
    %get3A_25 = arith.constant 0 : index
    %get3A_26 = arith.constant 1 : index
    %get3A_27 = vector.load %arg3[%get3A_25, %get3A_26] : memref<128x2xf32, #tpu.memory_space<vmem>>, vector<128x1xf32>
    %add3A_28 = arith.addf %get3A_27, %broadcast_in_dim3A_19 : vector<128x1xf32>
    %swap3A_29 = arith.constant 0 : index
    %swap3A_30 = arith.constant 1 : index
    %swap3A_31 = vector.load %arg3[%swap3A_29, %swap3A_30] : memref<128x2xf32, #tpu.memory_space<vmem>>, vector<128x1xf32>
    tpu.vector_store %arg3[%swap3A_29, %swap3A_30], %add3A_28 {strides = array<i32>} : memref<128x2xf32, #tpu.memory_space<vmem>>, vector<128x1xf32>,
    return
  }
  func.func @transform_0(%arg0: i32) -> (i32, i32, i32) {
    %c0_i32 = arith.constant 0 : i32
    %c0_i32_0 = arith.constant 0 : i32
    %c0_i32_1 = arith.constant 0 : i32
    return %c0_i32, %c0_i32_0, %arg0 : i32, i32, i32
  }
  func.func @transform_1(%arg0: i32) -> (i32, i32) {
    %c0_i32 = arith.constant 0 : i32
    %c0_i32_0 = arith.constant 0 : i32
    return %c0_i32, %arg0 : i32, i32
  }
  func.func @transform_2(%arg0: i32) -> (i32, i32) {
    %c0_i32 = arith.constant 0 : i32
    %c0_i32_0 = arith.constant 0 : i32
    %c0_i32_1 = arith.constant 0 : i32
    return %c0_i32, %c0_i32_0 : i32, i32
  }
}

</mosaic_0001>

<sc_bundles>
// kernel: sparse-core-data-format-call.cloned.1.call-start
scs
called_computation_lowered:
.L_overlay_start_0:
0x0: {  	s2 =	sld [smem:$0x3FD9]  }
0x1: {  	s3 =	sld [smem:$0x3FFE];
	_ =	sdelay $0x1  }
0x2: {  	s1 =	srdreg.scid  }
0x3: {  	s0 =	sand.u32 $0x1, s1  }
0x4: {  	s18 =	sshll.u32 s0, $0xA;
	s2 =	sadd.s32 s3, s2  }
0x5: {  	s2 =	sadd.s32 s2, s18  }
0x6: {  	[smem:$0x3FC6] =	sst s2  }
0x7: {  	_ = 	snop  }
0x8: {  	s2 =	sld [smem:$0x3FC8];
	(tm) =	ssettm $0x1  }
0x9: {  	s19 =	sld [smem:$0x3FFB];
	_ =	sdelay $0x3  }
0xa: {  	_ =	strace s19  }
0xb: {  	s3 =	sld [smem:$0x3FFC];
	_ =	sdelay $0x3  }
0xc: {  	_ =	strace s3  }
0xd: {  	s3 =	sld [smem:$0x3FFD];
	_ =	sdelay $0x3  }
0xe: {  	_ =	strace s3  }
0xf: {  	_ =	strace $0x8FFFFFFF  }
0x10: {  	s20 =	sld [smem:$0x3FDB];
	_ =	sdelay $0x1  }
0x11: {  	s4 =	simm.s32 $_scs_section_size  }
0x12: {  	s5 =	simm.s32 $_size__tile_overlayer_lowered;
	s6 =	simm.s32 $_tile_overlayer_lowered  }
0x13: {  	s23 =	simm.s32 $0x1BFF;
	s22 =	sshll.u32 s6, $0x1;
	s3 =	sadd.s32 s4, s20  }
0x14: {  	s7 =	simm.s32 $0x0;
	s21 =	sshll.u32 s5, $0x1;
	s5 =	sadd.s32 s22, s3  }
0x15: {  	[timem:s7], [sflag:s23] =	dma.local [hbm:s5], s21  }
0x16: {  	_ =	swait.ge [sflag:s23], s21  }
0x17: {  	s4 =	ssub.s32 $0x0, s21;
	[sflag:s23] =	ssyncset.done $0x0  }
0x18: {  	[sflag:s23] =	ssyncadd.s32 s4;
	_ =	sdelay $0x1  }
0x19: {  	s24 =	simm.s32 $0x1B8B  }
0x1a: {  	_ =	swait.ge [sflag:s24], $0x1  }
0x1b: {  	[sflag:s24] =	ssyncset.done $0x0  }
0x1c: {  	s26 =	simm.s32 $0x1B8E;
	s25 =	sld [smem:$0x3FFE];
	[sflag:s24] =	ssyncadd.s32 $0xFFFFFFFF  }
0x1d: {  	s27 =	simm.s32 $execute0_lowered;
	[smem:$0x3FD2] =	sst s26  }
0x1e: {  	s5 =	sshll.u32 s27, $0x1;
	_ =	strace $0x80000046;
	[dreg:$0x1] =	wrdreg $0xFFFFFFFF  }
0x1f: {  	s28 =	simm.s32 $_size_execute0_lowered;
	s3 =	sadd.s32 s3, s5;
	[dreg:$0x0] =	wrdreg $0x0  }
0x20: {  	s5 =	sshll.u32 s28, $0x1;
	[dreg:$0x2] =	wrdreg s3  }
0x21: {  	[dreg:$0x3] =	wrdreg s5  }
0x22: {  	[dreg:$0x4] =	wrdreg $0xC0  }
0x23: {  	_ =	task [dreg:s7], $0x5FFFF  }
0x24: {  	[dreg:$0x1] =	wrdreg $0xFFFFFFFF  }
0x25: {  	[dreg:$0x0] =	wrdreg $0x60  }
0x26: {  	[dreg:$0x2] =	wrdreg s2  }
0x27: {  	[dreg:$0x3] =	wrdreg s25  }
0x28: {  	[dreg:$0x4] =	wrdreg $0x9  }
0x29: {  	_ =	task.clear_ibuf [dreg:s7], $0x5FFFF;
	_ =	strace $0x90000046  }
0x2a: {  	s29 =	simm.s32 $0x9;
	_ =	strace $0x80000048  }
0x2b: {  	_ =	swait.ge [sflag:s29], $0x1  }
0x2c: {  	[sflag:s29] =	ssyncadd.s32 $0xFFFFFFFF  }
0x2d: {  	_ =	strace $0x90000048  }
0x2e: {  	_ =	sfence  }
0x2f: {  	s30 =	sld [smem:$0x0];
	_ =	sdelay $0x2  }
0x30: {  	s31 =	sshll.u32 s1, $0xD;
	s1 =	sshrl.u32 s1, $0x2  }
0x31: {  	s3 =	sand.u32 $0x4000, s31;
	s1 =	sadd.s32 s1, s30  }
0x32: {  	s0 =	sor.u32 s3, s0;
	s1 =	sshll.u32 s1, $0x11  }
0x33: {  	s0 =	sor.u32 s1, s0  }
0x34: {  	s0 =	sadd.s32 $0x8F2B, s0  }
0x35: {  	[sflag:s0] =	ssyncadd.remote.s32 $0x1  }
0x36: {  	_ =	sfence.sel $0xFFFF  }
0x37: {  	[dreg:$0x0] =	wrdreg $0xFFFFFFFF;
	(pc) =	sbr.abs _section_cstart, $3  }
0x38: {  	[dreg:$0x1] =	wrdreg $0xFFFFFFFF  }
0x39: {  	_ =	task.clear_ibuf [dreg:s7], $0x2FFFF;
	_ =	strace $0x9FFFFFFF  }
0x3a: {  	(tm) =	ssettm $0x7FFFFFFF  }
0x3b: {  	_ =	shalt  }
tec
execute0_lowered:
.L_overlay_start_1:
0x0: {  	(tag) =	ssettag $0x1  }
0x1: {  	s0 =	srdreg.scid;
	s1 =	rddreg [dreg:$0x0]  }
0x2: {  	s3 =	rddreg [dreg:$0x1];
	s7 =	simm.s32 $0x2;
	s16 =	simm.s32 $0x0  }
0x3: {  	p0 =	por $0x0, $0x0;
	s8 =	simm.s32 $0xC00;
	s14 =	simm.s32 $0x0  }
0x4: {  	s17 =	simm.s32 $0x0;
	s15 =	simm.s32 $0x0;
	s2 =	sand.u32 $0x1, s0  }
0x5: {  	s9 =	simm.s32 $0x0;
	s10 =	simm.s32 $0x0;
	s4 =	ssub.s32 $0x8, s2  }
.Ltmp0:
0x6: {  	s12 =	stileid.u32;
	s5 =	sshrl.u32 s4, $0x1;
	(pc) =	sbr.rel .LBB1_1-.Ltmp0, $4  }
0x7: {  	s13 =	simm.s32 $0x0;
	s0 =	rddreg [dreg:$0x2];
	s6 =	ssub.s32 s4, s5  }
0x8: {  	_ =	strace $0x80000047;
	s5 =	simm.s32 $0x1;
	s6 =	smul.u32 $0x1B, s6  }
0x9: {  	s11 =	smov.u32 s2;
	s4 =	sadd.s32 $0x400, s3;
	[sflag:s5] =	ssyncpa.u1 $0x0  }
0xa: {  	s3 =	stileid.u32;
	[sflag:s7] =	ssyncpa.u1 $0x0;
	s7 =	sadd.s32 $0x1, s6  }
.LBB1_4:
0xb: {  	_ =	sdelay $0x2  }
0xc: {  	s21 =	sshrl.u32 s17, $0x3  }
0xd: {  	s22 =	sshll.u32 s16, $0x3;
	[tilespmem:v0+s20+$0xFFFFFFA0 ss:$0x1] =	vst.idx.msk $0xffff, v7;
	s21 =	smul.u32 $0xC00, s21  }
0xe: {  	s27 =	sshll.u32 s17, $0x7;
	v56 =	vld.idx.msk [tilespmem:v1+s19+$0x30 ss:$0x1], $0xffff;
	[tilespmem:v0+s20+$0xFFFFFFB0 ss:$0x1] =	vst.idx.msk $0xffff, v5;
	s22 =	sand.u32 $0xFFFFFC00, s22  }
0xf: {  	v57 =	vld.idx.msk [tilespmem:v1+s19+$0xFFFFFFC0 ss:$0x1], $0xffff;
	[tilespmem:v0+s20+$0xFFFFFFC0 ss:$0x1] =	vst.idx.msk $0xffff, v4;
	s17 =	sand.u32 $0x380, s27;
	s21 =	sadd.s32 s21, s22  }
0x10: {  	s28 =	sand.u32 $0x7F, s16;
	v58 =	vld.idx.msk [tilespmem:v1+s19+$0xFFFFFFD0 ss:$0x1], $0xffff;
	[tilespmem:v0+s20+$0xFFFFFFD0 ss:$0x1] =	vst.idx.msk $0xffff, v2;
	s17 =	sor.u32 s17, s21  }
0x11: {  	v59 =	vld.idx.msk [tilespmem:v1+s19+$0xFFFFFFE0 ss:$0x1], $0xffff;
	[tilespmem:v0+s20+$0xFFFFFFE0 ss:$0x1] =	vst.idx.msk $0xffff, v3;
	s16 =	sor.u32 s28, s17  }
0x12: {  	[tilespmem:v0+s20+$0xFFFFFFF0 ss:$0x1] =	vst.idx.msk $0xffff, v6;
	v60 =	vld.idx.msk [tilespmem:v1+s19+$0xFFFFFFF0 ss:$0x1], $0xffff;
	s29 =	smulhi.u32 $0xAAAAAAAB, s16  }
0x13: {  	v61 =	vld.idx.msk [tilespmem:v1+s19+$0x0 ss:$0x1], $0xffff;
	[tilespmem:v0+s19+$0x0 ss:$0x1] =	vst.idx.msk $0xffff, v56;
	s17 =	smulhi.u32 $0xAAAAAAAB, s17  }
0x14: {  	v62 =	vld.idx.msk [tilespmem:v1+s19+$0x10 ss:$0x1], $0xffff;
	s15 =	smul.u32 $0x6C000, s15;
	[tilespmem:v0+s19+$0xFFFFFF90 ss:$0x1] =	vst.idx.msk $0xffff, v57;
	s30 =	sshrl.u32 s29, $0x8  }
0x15: {  	v63 =	vld.idx.msk [tilespmem:v1+s19+$0x20 ss:$0x1], $0xffff;
	[tilespmem:v0+s19+$0xFFFFFFA0 ss:$0x1] =	vst.idx.msk $0xffff, v58;
	s17 =	sshrl.u32 s17, $0x8;
	s20 =	smul.u32 $0x180, s30  }
0x16: {  	s14 =	smul.u32 $0x180, s14;
	[tilespmem:v0+s19+$0xFFFFFFB0 ss:$0x1] =	vst.idx.msk $0xffff, v59;
	s17 =	sand.u32 $0x7, s17  }
0x17: {  	s15 =	sadd.s32 s4, s15;
	[tilespmem:v0+s19+$0xFFFFFFC0 ss:$0x1] =	vst.idx.msk $0xffff, v60;
	s17 =	smul.u32 $0x30, s17;
	s16 =	ssub.s32 s16, s20  }
0x18: {  	s14 =	sadd.s32 s14, s15;
	[tilespmem:v0+s19+$0xFFFFFFD0 ss:$0x1] =	vst.idx.msk $0xffff, v61;
	s31 =	sand.u32 $0x7, s16  }
0x19: {  	[tilespmem:v0+s19+$0xFFFFFFE0 ss:$0x1] =	vst.idx.msk $0xffff, v62;
	s14 =	sadd.s32 s17, s14;
	s16 =	sshrl.u32 s16, $0x3;
	s15 =	sshll.u32 s31, $0x12  }
0x1a: {  	[tilespmem:v0+s19+$0xFFFFFFF0 ss:$0x1] =	vst.idx.msk $0xffff, v63;
	s14 =	sadd.s32 s16, s14;
	s15 =	sor.u32 $0x80, s15  }
0x1b: {  	[hbm4b:s14+s15] =	stream.strided.scatter [tilespmem:s18], [sflag:$0x2], $0x4000, s8, s15, $0x38;
	[tilespmem:$0x10000] =	vst v63  }
.LBB1_5:
0x1c: {  	s18 =	sadd.s32 $0x80, s9  }
0x1d: {  	s14 =	sadd.s32 $0x80, s10;
	s19 =	smov.u32 s10;
	p2 =	sgt.s32 s18, $0x17F  }
0x1e: {  	s19 =	smov.u32 @p2 s14  }
0x1f: {  	s20 =	smov.u32 s11;
	s14 =	sadd.s32 $0x2, s11;
	p3 =	sgt.s32 s19, $0x47F  }
0x20: {  	s20 =	smov.u32 @p3 s14  }
0x21: {  	s21 =	smov.u32 s12;
	s14 =	sadd.s32 $0x10, s12;
	p4 =	sgt.s32 s20, $0x7  }
0x22: {  	p1 =	slt.u32 s13, $0x2;
	s21 =	smov.u32 @p4 s14  }
0x23: {  	s16 =	smov.u32 s9;
	s18 =	simm.s32 @p2 $0x0;
	p2 =	sgt.s32 s21, $0xF  }
0x24: {  	s22 =	simm.s32 @!p1 $0x2;
	s21 =	smov.u32 @p2 s3;
	p2 =	sne.s32 s13, s7  }
.Ltmp1:
0x25: {  	s17 =	smov.u32 s11;
	_ =	swait.ge @!p1 [sflag:s22], $0x4000;
	(pc) =	sbr.rel @!p2 .LBB1_6-.Ltmp1, $4  }
0x26: {  	s15 =	smov.u32 s12;
	p0 =	por !p0, !p0;
	[sflag:s22] =	ssyncset.done @!p1 $0x0  }
0x27: {  	s9 =	smov.u32 s18;
	s19 =	simm.s32 @p3 $0x0;
	[sflag:s22] =	ssyncadd.s32 @!p1 $0xFFFFC000  }
0x28: {  	s20 =	smov.u32 @p4 s2;
	s14 =	smov.u32 s10;
	s10 =	smov.u32 s19  }
0x29: {  	s11 =	smov.u32 s20;
	s13 =	sadd.s32 $0x1, s13;
	s12 =	smov.u32 s21  }
.LBB1_1:
0x2a: {  	p1 =	sge.u32 s13, s6  }
0x2b: {  	s18 =	sshrl.u32 @!p1 s10, $0x3  }
0x2c: {  	s19 =	sshll.u32 @!p1 s9, $0x3;
	s18 =	smul.u32 @!p1 $0xC00, s18  }
0x2d: {  	s20 =	sshll.u32 @!p1 s10, $0x7;
	s19 =	sand.u32 @!p1 $0xFFFFFC00, s19  }
0x2e: {  	s18 =	sadd.s32 @!p1 s18, s19;
	s19 =	sand.u32 @!p1 $0x380, s20  }
0x2f: {  	s18 =	sor.u32 @!p1 s19, s18  }
0x30: {  	s20 =	smulhi.u32 @!p1 $0xAAAAAAAB, s18;
	_ =	sdelay $0x1  }
0x31: {  	s19 =	sand.u32 @!p1 $0x7F, s9;
	s20 =	sshrl.u32 @!p1 s20, $0x8  }
0x32: {  	s18 =	sor.u32 @!p1 s19, s18;
	s21 =	smulhi.u32 @!p1 $0xE38E39, s20  }
0x33: {  	s19 =	smulhi.u32 @!p1 $0xAAAAAAAB, s18  }
0x34: {  	s23 =	smul.u32 @!p1 $0x6C000, s12;
	s21 =	sshrl.u32 @!p1 s21, $0x2  }
0x35: {  	s19 =	sshrl.u32 @!p1 s19, $0x8;
	s21 =	smul.u32 @!p1 $0x480, s21  }
0x36: {  	s31 =	sadd.s32 $0xFFFFFFFF, s13;
	s22 =	sxor.u32 @!p1 $0xFFFFFFFF, s13;
	s19 =	smul.u32 @!p1 $0x180, s19  }
0x37: {  	s22 =	sshll.u32 @!p1 s22, $0xE;
	s20 =	ssub.s32 @!p1 s20, s21;
	s21 =	smul.u32 @!p1 $0xD800, s11  }
0x38: {  	s18 =	ssub.s32 @!p1 s18, s19;
	s19 =	smul.u32 @!p1 $0x30, s20;
	s20 =	sadd.s32 @!p1 s1, s23  }
0x39: {  	s22 =	sand.u32 @!p1 $0x4000, s22;
	s20 =	sadd.s32 @!p1 s21, s20;
	s21 =	sand.u32 @!p1 $0x7, s18  }
0x3a: {  	s18 =	sshrl.u32 @!p1 s18, $0x3;
	s19 =	sadd.s32 @!p1 s19, s20;
	s20 =	sshll.u32 @!p1 s21, $0x12  }
0x3b: {  	s18 =	sadd.s32 @!p1 s18, s19;
	s19 =	sor.u32 @!p1 $0x400, s20;
	s20 =	simm.s32 @!p1 $0xC00  }
0x3c: {  	[tilespmem:s22], [sflag:$0x1] =	stream.strided.gather @!p1 [hbm4b:s18+s19], $0x4000, s20, s19, $0x38;
	[tilespmem:$0x10000] =	vst v63  }
0x3d: {  	p1 =	sge.u32 s31, s6  }
.Ltmp2:
0x3e: {  	_ = 	snop;
	(pc) =	sbr.rel @p1 .LBB1_5-.Ltmp2, $1  }
0x3f: {  	_ =	sdelay $0x3  }
0x40: {  	s18 =	simm.s32 $0x1  }
0x41: {  	s18 =	simm.s32 @!p0 $0x0  }
0x42: {  	s18 =	sshll.u32 s18, $0xE  }
0x43: {  	s19 =	sor.u32 $0x40, s18  }
0x44: {  	v1 =	vmov s19;
	_ =	sdelay $0x1  }
0x45: {  	_ =	swait.ge [sflag:s5], $0x4000  }
0x46: {  	[sflag:s5] =	ssyncset.done $0x0  }
0x47: {  	s20 =	simm.s32 $0x0;
	[sflag:s5] =	ssyncadd.s32 $0xFFFFC000  }
0x48: {  	s18 =	sor.u32 $0x8070, s18;
	v6 =	vld.idx.msk [tilespmem:v1+s20+$0x30 ss:$0x1], $0xffff  }
0x49: {  	v0 =	vmov s18;
	v8 =	vld.idx.msk [tilespmem:v1+s20+$0xFFFFFFC0 ss:$0x1], $0xffff  }
0x4a: {  	v7 =	vld.idx.msk [tilespmem:v1+s20+$0xFFFFFFD0 ss:$0x1], $0xffff  }
0x4b: {  	v5 =	vld.idx.msk [tilespmem:v1+s20+$0xFFFFFFE0 ss:$0x1], $0xffff  }
0x4c: {  	v4 =	vld.idx.msk [tilespmem:v1+s20+$0xFFFFFFF0 ss:$0x1], $0xffff  }
0x4d: {  	s31 =	sshll.u32 s13, $0xE;
	v2 =	vld.idx.msk [tilespmem:v1+s20+$0x0 ss:$0x1], $0xffff  }
0x4e: {  	s18 =	sand.u32 $0x4000, s31;
	v3 =	vld.idx.msk [tilespmem:v1+s20+$0x10 ss:$0x1], $0xffff;
	[tilespmem:v0+s20+$0x0 ss:$0x1] =	vst.idx.msk $0xffff, v6  }
0x4f: {  	s21 =	simm.s32 $0x400;
	s19 =	simm.s32 $0x80;
	s18 =	sor.u32 $0x8000, s18;
	[tilespmem:v0+s20+$0xFFFFFF90 ss:$0x1] =	vst.idx.msk $0xffff, v8;
	v6 =	vld.idx.msk [tilespmem:v1+s20+$0x20 ss:$0x1], $0xffff  }
.LBB1_3:
0x50: {  	p1 =	sne.s32 s21, $0xFE00;
	v8 =	vld.idx.msk [tilespmem:v1+s19+$0x30 ss:$0x1], $0xffff;
	[tilespmem:v0+s20+$0xFFFFFFA0 ss:$0x1] =	vst.idx.msk $0xffff, v7  }
0x51: {  	v9 =	vld.idx.msk [tilespmem:v1+s19+$0xFFFFFFC0 ss:$0x1], $0xffff;
	[tilespmem:v0+s20+$0xFFFFFFB0 ss:$0x1] =	vst.idx.msk $0xffff, v5  }
0x52: {  	v7 =	vld.idx.msk [tilespmem:v1+s19+$0xFFFFFFD0 ss:$0x1], $0xffff;
	[tilespmem:v0+s20+$0xFFFFFFC0 ss:$0x1] =	vst.idx.msk $0xffff, v4  }
.Ltmp3:
0x53: {  	v5 =	vld.idx.msk [tilespmem:v1+s19+$0xFFFFFFE0 ss:$0x1], $0xffff;
	[tilespmem:v0+s20+$0xFFFFFFD0 ss:$0x1] =	vst.idx.msk $0xffff, v2;
	(pc) =	sbr.rel @p1 .LBB1_3-.Ltmp3, $4  }
0x54: {  	v4 =	vld.idx.msk [tilespmem:v1+s19+$0xFFFFFFF0 ss:$0x1], $0xffff;
	[tilespmem:v0+s20+$0xFFFFFFE0 ss:$0x1] =	vst.idx.msk $0xffff, v3  }
0x55: {  	v2 =	vld.idx.msk [tilespmem:v1+s19+$0x0 ss:$0x1], $0xffff;
	[tilespmem:v0+s20+$0xFFFFFFF0 ss:$0x1] =	vst.idx.msk $0xffff, v6;
	s20 =	smov.u32 s19  }
0x56: {  	v3 =	vld.idx.msk [tilespmem:v1+s20+$0x10 ss:$0x1], $0xffff;
	[tilespmem:v0+s20+$0x0 ss:$0x1] =	vst.idx.msk $0xffff, v8  }
0x57: {  	s19 =	sshra.s32 s21, $0x2;
	s21 =	sadd.s32 $0x200, s21;
	[tilespmem:v0+s20+$0xFFFFFF90 ss:$0x1] =	vst.idx.msk $0xffff, v9;
	v6 =	vld.idx.msk [tilespmem:v1+s20+$0x20 ss:$0x1], $0xffff  }
.Ltmp4:
0x58: {  	_ = 	snop;
	(pc) =	sbr.rel .LBB1_4-.Ltmp4, $1  }
0x59: {  	_ =	sdelay $0x3  }
.LBB1_6:
0x5a: {  	_ =	sfence.sel $0x180000  }
0x5b: {  	s1 =	simm.s32 $0x1;
	[bflag:$0x0] =	sbarrier.arrive $0xFFFF  }
0x5c: {  	s31 =	simm.s32 $0x2;
	[sflag:s1] =	ssyncpa.u1 $0x1  }
0x5d: {  	[sflag:s31] =	ssyncpa.u1 $0x1  }
0x5e: {  	p0 =	sne.s32 s3, $0x0;
	_ =	strace $0x90000047  }
0x5f: {  	s0 =	sadd.s32 @!p0 $0x100000, s0;
	[bflag:$0x2] =	sbarrier.arrive $0xFFFF  }
0x60: {  	[sflag:s0] =	ssyncadd.tile.s32 @!p0 $0x1;
	_ =	shalt  }
.Lfunc_end1:
_tile_overlayer_lowered:
.L_overlay_start_2:
0x61: {  	(tag) =	ssettag $0x2  }
0x62: {  	s0 =	rddreg [dreg:$0x0];
	s2 =	stileid.u32  }
0x63: {  	s1 =	rddreg [dreg:$0x1];
	p0 =	sne.s32 s2, $0x0  }
0x64: {  	s3 =	rddreg [dreg:$0x2];
	[bflag:$0x3] =	sbarrier.arrive $0xFFFF;
	s2 =	simm.s32 @!p0 $0x1C01  }
0x65: {  	[timem:s3], [sflag:s2] =	dma.local @!p0 [hbm:s0], s1  }
0x66: {  	s0 =	simm.s32 @!p0 $0x1  }
0x67: {  	_ =	swait.ge @!p0 [sflag:s0], s1  }
0x68: {  	s1 =	ssub.s32 @!p0 $0x0, s1;
	[sflag:s0] =	ssyncset.done @!p0 $0x0  }
0x69: {  	[sflag:s0] =	ssyncadd.s32 @!p0 s1  }
0x6a: {  	[bflag:$0x3] =	sbarrier.arrive $0xFFFF  }
0x6b: {  	_ =	shalt  }

</sc_bundles>
